<compile_context>
chip_gen: v7x
topology: tpu7x:2x2x1
jax: 0.10.2.dev20260603
libtpu: 0.0.44.dev20260713+nightly
codegen_flags: <defaults>
</compile_context>

<pallas_src>
import jax
import jax.numpy as jnp
from jax.experimental import pallas as pl
from jax.experimental.pallas import tpu as pltpu

B, V, C = 64, 32, 64
R = B * V
RP = R // 2
W = 2 * C
KCAP = 128
_SHIFT = 16.0
_NEG = -jnp.inf


def _seg_shl1(x, pad):
    lane = jax.lax.broadcasted_iota(jnp.int32, x.shape, 1)
    y = jnp.concatenate(
        [x[:, 1:], jnp.full((x.shape[0], 1), pad, x.dtype)], axis=1)
    return jnp.where((lane & (C - 1)) == C - 1, pad, y)


def _seg_shr1(x, pad):
    lane = jax.lax.broadcasted_iota(jnp.int32, x.shape, 1)
    y = jnp.concatenate(
        [jnp.full((x.shape[0], 1), pad, x.dtype), x[:, :-1]], axis=1)
    return jnp.where((lane & (C - 1)) == 0, pad, y)


def _shl(x, k, pad):
    return jnp.concatenate(
        [x[:, k:], jnp.full((x.shape[0], k), pad, x.dtype)], axis=1)


def _shr(x, k, pad):
    return jnp.concatenate(
        [jnp.full((x.shape[0], k), pad, x.dtype), x[:, : x.shape[1] - k]],
        axis=1)


def _mm(a, b, precision):
    return jax.lax.dot_general(
        a, b, (((1,), (0,)), ((), ())),
        preferred_element_type=jnp.float32, precision=precision)


def _fast_kernel(x_ref, u_ref, iw_ref, s_ref, f_ref):
    x = x_ref[:]
    u = u_ref[:]
    lane = jax.lax.broadcasted_iota(jnp.int32, (RP, W), 1)
    valid = (lane & (C - 1)) < C - 1

    jj = jax.lax.broadcasted_iota(jnp.int32, (W, W), 0)
    ii = jax.lax.broadcasted_iota(jnp.int32, (W, W), 1)
    samehalf = (jj // C) == (ii // C)
    upper = ((jj > ii) & samehalf).astype(jnp.float32)
    lower_f = ((jj <= ii) & samehalf).astype(jnp.float32)
    lower_b = ((jj <= ii) & samehalf).astype(jnp.bfloat16)

    e = jnp.exp(x - _SHIFT)
    s = _mm(e, upper, jax.lax.Precision.HIGHEST)
    xs = _seg_shl1(x, 0.0)
    denom = xs + jnp.log(s * jnp.exp(_SHIFT - xs))
    sb = jnp.where(valid, x - denom, 0.0)

    sg = jax.nn.sigmoid(sb)
    sg_abs = jnp.maximum(sg, 1.0 - sg)
    cond = sb >= -1e-5
    ratio = (1.0 - sg) ** 2 / jnp.where(cond, 1.0, 1.0 - 2.0 * sg)
    lg = jnp.where(cond, -1e4, jnp.log(ratio))
    p = jnp.exp(_mm(lg, lower_f, jax.lax.Precision.HIGHEST))
    iw_ref[:] = _seg_shr1(p, 1.0) * jnp.where(valid, sg_abs, 1.0)

    h = (u < sg).astype(jnp.bfloat16)
    q = _mm(h, lower_b, jax.lax.Precision.DEFAULT)
    ind = (q == 0.0).astype(jnp.bfloat16)
    oj = jax.lax.broadcasted_iota(jnp.int32, (W, 2), 0)
    oc = jax.lax.broadcasted_iota(jnp.int32, (W, 2), 1)
    seg_of = ((oj // C) == oc)
    count = (seg_of & ((oj & (C - 1)) < C - 1)).astype(jnp.bfloat16)
    s_ref[:] = _mm(ind, count, jax.lax.Precision.DEFAULT).astype(jnp.int32)

    danger = valid & (((sb > -2e-2) & (sb < 9e-5))
                      | (jnp.abs(u - sg) < 1e-5))
    dcnt = _mm(danger.astype(jnp.bfloat16), seg_of.astype(jnp.bfloat16),
               jax.lax.Precision.DEFAULT)
    f_ref[:] = (dcnt > 0.0).astype(jnp.int32)


def _fix_kernel(idx_ref, x_ref, u_ref, iwf_ref, sampf_ref,
                iw_ref, samp_ref, xg_ref, ug_ref, iwg_ref, sg_ref):
    iw_ref[:] = iwf_ref[:]
    samp_ref[:] = sampf_ref[:]

    def gather(t, carry):
        r = idx_ref[t]
        xg_ref[pl.ds(t, 1), :] = x_ref[pl.ds(r, 1), :]
        ug_ref[pl.ds(t, 1), :] = u_ref[pl.ds(r, 1), :]
        return carry

    jax.lax.fori_loop(0, KCAP, gather, 0)

    x = xg_ref[:]
    u = ug_ref[:]
    lane = jax.lax.broadcasted_iota(jnp.int32, (KCAP, C), 1)
    valid = lane < C - 1

    tiled = jnp.broadcast_to(x[:, None, :], (KCAP, C, C))
    ii = jax.lax.broadcasted_iota(jnp.int32, (KCAP, C, C), 1)
    jj = jax.lax.broadcasted_iota(jnp.int32, (KCAP, C, C), 2)
    dl = jnp.where(jj <= ii, _NEG, tiled)
    amax = jnp.max(dl, axis=-1, keepdims=True)
    ssum = jnp.sum(jnp.exp(dl - amax), axis=-1)
    denom = jnp.log(ssum) + amax[:, :, 0]
    sb = jnp.where(valid, x - denom, 0.0)

    sg = jax.nn.sigmoid(sb)
    sg_abs = jax.nn.sigmoid(jnp.abs(sb))
    cond = sb >= -1e-5
    safe_den = jnp.where(cond, 1.0, 1.0 - 2.0 * sg)
    bzm = jnp.where(cond, 0.0, (1.0 - sg) ** 2 / safe_den)
    bzm = jnp.where(valid, bzm, 0.0)
    for k in (1, 2, 4, 8, 16, 32):
        bzm = bzm * _shr(bzm, k, 1.0)
    iwg_ref[:] = _shr(bzm, 1, 1.0) * jnp.where(valid, sg_abs, 1.0)

    hit = (u < sg) & valid
    sg_ref[:] = jnp.min(jnp.where(hit, lane, C - 1), axis=1, keepdims=True)

    def scatter(t, carry):
        r = idx_ref[t]
        iw_ref[pl.ds(r, 1), :] = iwg_ref[pl.ds(t, 1), :]
        samp_ref[pl.ds(r, 1), :] = sg_ref[pl.ds(t, 1), :]
        return carry

    jax.lax.fori_loop(0, KCAP, scatter, 0)


@jax.jit
def kernel(encoder_logits, u_noise):
    xp = encoder_logits.reshape(RP, W)
    up = u_noise.reshape(RP, W)
    iw1, samp1, flags = pl.pallas_call(
        _fast_kernel,
        out_shape=(
            jax.ShapeDtypeStruct((RP, W), jnp.float32),
            jax.ShapeDtypeStruct((RP, 2), jnp.int32),
            jax.ShapeDtypeStruct((RP, 2), jnp.int32),
        ),
    )(xp, up)
    idx = jnp.nonzero(flags.reshape(R), size=KCAP, fill_value=0)[0]
    idx = idx.astype(jnp.int32)
    iw, samp = pl.pallas_call(
        _fix_kernel,
        in_specs=[
            pl.BlockSpec(memory_space=pltpu.SMEM),
            pl.BlockSpec(memory_space=pltpu.VMEM),
            pl.BlockSpec(memory_space=pltpu.VMEM),
            pl.BlockSpec(memory_space=pltpu.VMEM),
            pl.BlockSpec(memory_space=pltpu.VMEM),
        ],
        out_specs=(
            pl.BlockSpec(memory_space=pltpu.VMEM),
            pl.BlockSpec(memory_space=pltpu.VMEM),
        ),
        out_shape=(
            jax.ShapeDtypeStruct((R, C), jnp.float32),
            jax.ShapeDtypeStruct((R, 1), jnp.int32),
        ),
        scratch_shapes=[
            pltpu.VMEM((KCAP, C), jnp.float32),
            pltpu.VMEM((KCAP, C), jnp.float32),
            pltpu.VMEM((KCAP, C), jnp.float32),
            pltpu.VMEM((KCAP, 1), jnp.int32),
        ],
    )(idx, encoder_logits.reshape(R, C), u_noise.reshape(R, C),
      iw1.reshape(R, C), samp1.reshape(R, 1))
    return iw.reshape(B, V, C), samp.reshape(B, V)

# --- scband reference (transcript-rebuilt; emitter-appended) ---
"""Pipeline reference for scband-categorical-vae-4329327034373 (READ-ONLY COPY).

The authoritative reference and input builder live on the scoring server;
editing this copy changes nothing except your own understanding.
"""

import jax, jax.numpy as jnp
import numpy as np

B, V, C = 64, 32, 64


def _convert_softmax_logits_to_stickbreaking(input_logits):
    c = input_logits.shape[-1]
    tiled = jnp.broadcast_to(input_logits[..., None, :], input_logits.shape[:-1] + (c, c))
    lower = jnp.tril(jnp.ones((c, c), dtype=bool))
    denom_logits = jnp.where(lower, -jnp.inf, tiled)
    # drop the last (all -inf) row before logsumexp to stay numerically safe;
    # original code computes it then slices [..., :-1]
    denom = jax.scipy.special.logsumexp(denom_logits[..., :-1, :], axis=-1)
    return input_logits[..., :-1] - denom


def _get_importance_weight_vector(input_logits, threshold=1e-05):
    sigma_abs_logits = jax.nn.sigmoid(jnp.abs(input_logits))
    sigma_logits = jax.nn.sigmoid(input_logits)
    cond = input_logits >= -threshold
    safe_den = jnp.where(cond, 1.0, 1.0 - 2.0 * sigma_logits)
    both_zeros_multiplier = jnp.where(cond, jnp.zeros_like(input_logits), (1.0 - sigma_logits) ** 2 / safe_den)
    both_zeros_multiplier = jnp.cumprod(both_zeros_multiplier, axis=-1)
    importance_weights = jnp.concatenate([
        sigma_abs_logits[:, :, 0:1],
        both_zeros_multiplier[:, :, :-1] * sigma_abs_logits[:, :, 1:],
        both_zeros_multiplier[:, :, -1:],
    ], axis=-1)
    return importance_weights


def setup_inputs(seed: int = 0) -> dict:
    key = jax.random.key(seed)
    k1, k2 = jax.random.split(key)
    encoder_logits = jax.random.normal(k1, (B, V, C), dtype=jnp.float32)
    u_noise = jax.random.uniform(k2, (B, V, C), dtype=jnp.float32)
    return {"encoder_logits": encoder_logits, "u_noise": u_noise}


def reference(encoder_logits, u_noise):
    # stick-breaking logits: [B, V, C-1]
    sb_logits = _convert_softmax_logits_to_stickbreaking(encoder_logits)
    # importance weights: [B, V, C]
    importance_weights = _get_importance_weight_vector(sb_logits)
    # stick-breaking categorical sampling: b_i = 1 if u_i < sigmoid(sb_i);
    # categorical sample = first index where b == 1, else C-1
    sigma_phi = jax.nn.sigmoid(sb_logits)
    b = u_noise[..., : sb_logits.shape[-1]] < sigma_phi
    any_one = jnp.any(b, axis=-1)
    first_one = jnp.argmax(b, axis=-1)
    c = encoder_logits.shape[-1]
    categorical_samples = jnp.where(any_one, first_one, c - 1).astype(jnp.int32)
    return (importance_weights, categorical_samples)

if __name__ == "__main__":
    import jax
    _d = setup_inputs()
    print(jax.jit(kernel)(*tuple(_d.values())))

</pallas_src>

<mosaic_0001>
module attributes {stable_mosaic.version = 14 : i64} {
  func.func @_fast_kernel(%arg0: memref<1024x128xf32, #tpu.memory_space<vmem>>, %arg1: memref<1024x128xf32, #tpu.memory_space<vmem>>, %arg2: memref<1024x128xf32, #tpu.memory_space<vmem>>, %arg3: memref<1024x2xi32, #tpu.memory_space<vmem>>, %arg4: memref<1024x2xi32, #tpu.memory_space<vmem>>) attributes {dimension_semantics = [], scalar_prefetch = 0 : i64, scratch_operands = 0 : i64, tpu.core_type = #tpu.core_type<tc>} {
    %get3A = arith.constant 0 : index
    %get3A_0 = arith.constant 0 : index
    %get3A_1 = vector.load %arg0[%get3A, %get3A_0] : memref<1024x128xf32, #tpu.memory_space<vmem>>, vector<1024x128xf32>
    %get3A_2 = arith.constant 0 : index
    %get3A_3 = arith.constant 0 : index
    %get3A_4 = vector.load %arg1[%get3A_2, %get3A_3] : memref<1024x128xf32, #tpu.memory_space<vmem>>, vector<1024x128xf32>
    %iota3A = tpu.iota {dimensions = array<i32: 1>} : vector<1024x128xi32>
    %and3A = arith.constant 63 : i32
    %and3A_5 = vector.broadcast %and3A : i32 to vector<1024x128xi32>
    %and3A_6 = arith.andi %iota3A, %and3A_5 : vector<1024x128xi32>
    %lt3A = arith.constant 63 : i32
    %lt3A_7 = vector.broadcast %lt3A : i32 to vector<1024x128xi32>
    %lt3A_8 = arith.cmpi slt, %and3A_6, %lt3A_7 : vector<1024x128xi32>
    %iota3A_9 = tpu.iota {dimensions = array<i32: 0>} : vector<128x128xi32>
    %iota3A_10 = tpu.iota {dimensions = array<i32: 1>} : vector<128x128xi32>
    %jit3A = arith.constant 64 : i32
    %div3A = vector.broadcast %jit3A : i32 to vector<128x128xi32>
    %div3A_11 = arith.divsi %iota3A_9, %div3A : vector<128x128xi32>
    %sign3A = arith.constant 0 : i32
    %sign3A_12 = vector.broadcast %sign3A : i32 to vector<128x128xi32>
    %sign3A_13 = arith.cmpi sgt, %iota3A_9, %sign3A_12 : vector<128x128xi32>
    %sign3A_14 = arith.extui %sign3A_13 : vector<128x128xi1> to vector<128x128xi32>
    %sign3A_15 = arith.constant 0 : i32
    %sign3A_16 = vector.broadcast %sign3A_15 : i32 to vector<128x128xi32>
    %sign3A_17 = arith.cmpi slt, %iota3A_9, %sign3A_16 : vector<128x128xi32>
    %sign3A_18 = arith.extui %sign3A_17 : vector<128x128xi1> to vector<128x128xi32>
    %sign3A_19 = arith.subi %sign3A_14, %sign3A_18 : vector<128x128xi32>
    %sign3A_20 = arith.constant 0 : i32
    %sign3A_21 = arith.cmpi sgt, %jit3A, %sign3A_20 : i32
    %sign3A_22 = arith.extui %sign3A_21 : i1 to i32
    %sign3A_23 = arith.constant 0 : i32
    %sign3A_24 = arith.cmpi slt, %jit3A, %sign3A_23 : i32
    %sign3A_25 = arith.extui %sign3A_24 : i1 to i32
    %sign3A_26 = arith.subi %sign3A_22, %sign3A_25 : i32
    %ne3A = vector.broadcast %sign3A_26 : i32 to vector<128x128xi32>
    %ne3A_27 = arith.cmpi ne, %sign3A_19, %ne3A : vector<128x128xi32>
    %rem3A = vector.broadcast %jit3A : i32 to vector<128x128xi32>
    %rem3A_28 = arith.remsi %iota3A_9, %rem3A : vector<128x128xi32>
    %ne3A_29 = arith.constant 0 : i32
    %ne3A_30 = vector.broadcast %ne3A_29 : i32 to vector<128x128xi32>
    %ne3A_31 = arith.cmpi ne, %rem3A_28, %ne3A_30 : vector<128x128xi32>
    %and3A_32 = arith.andi %ne3A_27, %ne3A_31 : vector<128x128xi1>
    %sub3A = arith.constant 1 : i32
    %sub3A_33 = vector.broadcast %sub3A : i32 to vector<128x128xi32>
    %sub3A_34 = arith.subi %div3A_11, %sub3A_33 : vector<128x128xi32>
    %select_n3A = arith.select %and3A_32, %sub3A_34, %div3A_11 : vector<128x128xi1>, vector<128x128xi32>
    %jit3A_35 = arith.constant 64 : i32
    %div3A_36 = vector.broadcast %jit3A_35 : i32 to vector<128x128xi32>
    %div3A_37 = arith.divsi %iota3A_10, %div3A_36 : vector<128x128xi32>
    %sign3A_38 = arith.constant 0 : i32
    %sign3A_39 = vector.broadcast %sign3A_38 : i32 to vector<128x128xi32>
    %sign3A_40 = arith.cmpi sgt, %iota3A_10, %sign3A_39 : vector<128x128xi32>
    %sign3A_41 = arith.extui %sign3A_40 : vector<128x128xi1> to vector<128x128xi32>
    %sign3A_42 = arith.constant 0 : i32
    %sign3A_43 = vector.broadcast %sign3A_42 : i32 to vector<128x128xi32>
    %sign3A_44 = arith.cmpi slt, %iota3A_10, %sign3A_43 : vector<128x128xi32>
    %sign3A_45 = arith.extui %sign3A_44 : vector<128x128xi1> to vector<128x128xi32>
    %sign3A_46 = arith.subi %sign3A_41, %sign3A_45 : vector<128x128xi32>
    %sign3A_47 = arith.constant 0 : i32
    %sign3A_48 = arith.cmpi sgt, %jit3A_35, %sign3A_47 : i32
    %sign3A_49 = arith.extui %sign3A_48 : i1 to i32
    %sign3A_50 = arith.constant 0 : i32
    %sign3A_51 = arith.cmpi slt, %jit3A_35, %sign3A_50 : i32
    %sign3A_52 = arith.extui %sign3A_51 : i1 to i32
    %sign3A_53 = arith.subi %sign3A_49, %sign3A_52 : i32
    %ne3A_54 = vector.broadcast %sign3A_53 : i32 to vector<128x128xi32>
    %ne3A_55 = arith.cmpi ne, %sign3A_46, %ne3A_54 : vector<128x128xi32>
    %rem3A_56 = vector.broadcast %jit3A_35 : i32 to vector<128x128xi32>
    %rem3A_57 = arith.remsi %iota3A_10, %rem3A_56 : vector<128x128xi32>
    %ne3A_58 = arith.constant 0 : i32
    %ne3A_59 = vector.broadcast %ne3A_58 : i32 to vector<128x128xi32>
    %ne3A_60 = arith.cmpi ne, %rem3A_57, %ne3A_59 : vector<128x128xi32>
    %and3A_61 = arith.andi %ne3A_55, %ne3A_60 : vector<128x128xi1>
    %sub3A_62 = arith.constant 1 : i32
    %sub3A_63 = vector.broadcast %sub3A_62 : i32 to vector<128x128xi32>
    %sub3A_64 = arith.subi %div3A_37, %sub3A_63 : vector<128x128xi32>
    %select_n3A_65 = arith.select %and3A_61, %sub3A_64, %div3A_37 : vector<128x128xi1>, vector<128x128xi32>
    %eq3A = arith.cmpi eq, %select_n3A, %select_n3A_65 : vector<128x128xi32>
    %gt3A = arith.cmpi sgt, %iota3A_9, %iota3A_10 : vector<128x128xi32>
    %and3A_66 = arith.andi %gt3A, %eq3A : vector<128x128xi1>
    %convert_element_type3A = arith.extui %and3A_66 : vector<128x128xi1> to vector<128x128xi32>
    %convert_element_type3A_67 = arith.sitofp %convert_element_type3A : vector<128x128xi32> to vector<128x128xf32>
    %le3A = arith.cmpi sle, %iota3A_9, %iota3A_10 : vector<128x128xi32>
    %and3A_68 = arith.andi %le3A, %eq3A : vector<128x128xi1>
    %convert_element_type3A_69 = arith.extui %and3A_68 : vector<128x128xi1> to vector<128x128xi32>
    %convert_element_type3A_70 = arith.sitofp %convert_element_type3A_69 : vector<128x128xi32> to vector<128x128xf32>
    %le3A_71 = arith.cmpi sle, %iota3A_9, %iota3A_10 : vector<128x128xi32>
    %and3A_72 = arith.andi %le3A_71, %eq3A : vector<128x128xi1>
    %convert_element_type3A_73 = arith.extui %and3A_72 : vector<128x128xi1> to vector<128x128xi32>
    %convert_element_type3A_74 = arith.sitofp %convert_element_type3A_73 : vector<128x128xi32> to vector<128x128xf32>
    %convert_element_type3A_75 = arith.truncf %convert_element_type3A_74 : vector<128x128xf32> to vector<128x128xbf16>
    %sub3A_76 = arith.constant 1.600000e+01 : f32
    %sub3A_77 = vector.broadcast %sub3A_76 : f32 to vector<1024x128xf32>
    %sub3A_78 = arith.subf %get3A_1, %sub3A_77 : vector<1024x128xf32>
    %exp3A = math.exp %sub3A_78 : vector<1024x128xf32>
    %dot_general3A = arith.constant dense<0.000000e+00> : vector<1024x128xf32>
    %dot_general3A_79 = tpu.matmul %exp3A, %convert_element_type3A_67, %dot_general3A {dimension_numbers = #tpu.dot_dimension_numbers<[1], [0], [0], [1], [0, 0, 1, 1], [], []>, precision = #tpu.contract_precision<fp32>, transpose_lhs_hint = false} : vector<1024x128xf32>, vector<128x128xf32>, vector<1024x128xf32> -> vector<1024x128xf32>
    %iota3A_80 = tpu.iota {dimensions = array<i32: 1>} : vector<1024x128xi32>
    %slice3A = vector.extract_strided_slice %get3A_1 {offsets = [0, 1], sizes = [1024, 127], strides = [1, 1]} : vector<1024x128xf32> to vector<1024x127xf32>
    %broadcast_in_dim3A = arith.constant 0.000000e+00 : f32
    %broadcast_in_dim3A_81 = vector.broadcast %broadcast_in_dim3A : f32 to vector<1024x1xf32>
    %concatenate3A = tpu.concatenate %slice3A, %broadcast_in_dim3A_81 in 1 : vector<1024x127xf32>, vector<1024x1xf32> -> vector<1024x128xf32>
    %and3A_82 = arith.constant 63 : i32
    %and3A_83 = vector.broadcast %and3A_82 : i32 to vector<1024x128xi32>
    %and3A_84 = arith.andi %iota3A_80, %and3A_83 : vector<1024x128xi32>
    %eq3A_85 = arith.constant 63 : i32
    %eq3A_86 = vector.broadcast %eq3A_85 : i32 to vector<1024x128xi32>
    %eq3A_87 = arith.cmpi eq, %and3A_84, %eq3A_86 : vector<1024x128xi32>
    %jit3A_88 = arith.constant 0.000000e+00 : f32
    %broadcast_in_dim3A_89 = vector.broadcast %jit3A_88 : f32 to vector<1024x128xf32>
    %select_n3A_90 = arith.select %eq3A_87, %broadcast_in_dim3A_89, %concatenate3A : vector<1024x128xi1>, vector<1024x128xf32>
    %sub3A_91 = arith.constant 1.600000e+01 : f32
    %sub3A_92 = vector.broadcast %sub3A_91 : f32 to vector<1024x128xf32>
    %sub3A_93 = arith.subf %sub3A_92, %select_n3A_90 : vector<1024x128xf32>
    %exp3A_94 = math.exp %sub3A_93 : vector<1024x128xf32>
    %mul3A = arith.mulf %dot_general3A_79, %exp3A_94 : vector<1024x128xf32>
    %log3A = math.log %mul3A : vector<1024x128xf32>
    %add3A = arith.addf %select_n3A_90, %log3A : vector<1024x128xf32>
    %sub3A_95 = arith.subf %get3A_1, %add3A : vector<1024x128xf32>
    %jit3A_96 = arith.constant 0.000000e+00 : f32
    %broadcast_in_dim3A_97 = vector.broadcast %jit3A_96 : f32 to vector<1024x128xf32>
    %select_n3A_98 = arith.select %lt3A_8, %sub3A_95, %broadcast_in_dim3A_97 : vector<1024x128xi1>, vector<1024x128xf32>
    %logistic3A = arith.negf %select_n3A_98 : vector<1024x128xf32>
    %logistic3A_99 = math.exp %logistic3A : vector<1024x128xf32>
    %logistic3A_100 = arith.constant 1.000000e+00 : f32
    %logistic3A_101 = vector.broadcast %logistic3A_100 : f32 to vector<1024x128xf32>
    %logistic3A_102 = arith.addf %logistic3A_101, %logistic3A_99 : vector<1024x128xf32>
    %logistic3A_103 = arith.divf %logistic3A_101, %logistic3A_102 : vector<1024x128xf32>
    %sub3A_104 = arith.constant 1.000000e+00 : f32
    %sub3A_105 = vector.broadcast %sub3A_104 : f32 to vector<1024x128xf32>
    %sub3A_106 = arith.subf %sub3A_105, %logistic3A_103 : vector<1024x128xf32>
    %max3A = arith.maximumf %logistic3A_103, %sub3A_106 : vector<1024x128xf32>
    %ge3A = arith.constant -9.99999974E-6 : f32
    %ge3A_107 = vector.broadcast %ge3A : f32 to vector<1024x128xf32>
    %ge3A_108 = arith.cmpf oge, %select_n3A_98, %ge3A_107 : vector<1024x128xf32>
    %sub3A_109 = arith.constant 1.000000e+00 : f32
    %sub3A_110 = vector.broadcast %sub3A_109 : f32 to vector<1024x128xf32>
    %sub3A_111 = arith.subf %sub3A_110, %logistic3A_103 : vector<1024x128xf32>
    %integer_pow3A = arith.mulf %sub3A_111, %sub3A_111 : vector<1024x128xf32>
    %mul3A_112 = arith.constant 2.000000e+00 : f32
    %mul3A_113 = vector.broadcast %mul3A_112 : f32 to vector<1024x128xf32>
    %mul3A_114 = arith.mulf %mul3A_113, %logistic3A_103 : vector<1024x128xf32>
    %sub3A_115 = arith.constant 1.000000e+00 : f32
    %sub3A_116 = vector.broadcast %sub3A_115 : f32 to vector<1024x128xf32>
    %sub3A_117 = arith.subf %sub3A_116, %mul3A_114 : vector<1024x128xf32>
    %jit3A_118 = arith.constant 1.000000e+00 : f32
    %broadcast_in_dim3A_119 = vector.broadcast %jit3A_118 : f32 to vector<1024x128xf32>
    %select_n3A_120 = arith.select %ge3A_108, %broadcast_in_dim3A_119, %sub3A_117 : vector<1024x128xi1>, vector<1024x128xf32>
    %div3A_121 = arith.divf %integer_pow3A, %select_n3A_120 : vector<1024x128xf32>
    %log3A_122 = math.log %div3A_121 : vector<1024x128xf32>
    %jit3A_123 = arith.constant -1.000000e+04 : f32
    %broadcast_in_dim3A_124 = vector.broadcast %jit3A_123 : f32 to vector<1024x128xf32>
    %select_n3A_125 = arith.select %ge3A_108, %broadcast_in_dim3A_124, %log3A_122 : vector<1024x128xi1>, vector<1024x128xf32>
    %dot_general3A_126 = arith.constant dense<0.000000e+00> : vector<1024x128xf32>
    %dot_general3A_127 = tpu.matmul %select_n3A_125, %convert_element_type3A_70, %dot_general3A_126 {dimension_numbers = #tpu.dot_dimension_numbers<[1], [0], [0], [1], [0, 0, 1, 1], [], []>, precision = #tpu.contract_precision<fp32>, transpose_lhs_hint = false} : vector<1024x128xf32>, vector<128x128xf32>, vector<1024x128xf32> -> vector<1024x128xf32>
    %exp3A_128 = math.exp %dot_general3A_127 : vector<1024x128xf32>
    %iota3A_129 = tpu.iota {dimensions = array<i32: 1>} : vector<1024x128xi32>
    %broadcast_in_dim3A_130 = arith.constant 1.000000e+00 : f32
    %broadcast_in_dim3A_131 = vector.broadcast %broadcast_in_dim3A_130 : f32 to vector<1024x1xf32>
    %slice3A_132 = vector.extract_strided_slice %exp3A_128 {offsets = [0, 0], sizes = [1024, 127], strides = [1, 1]} : vector<1024x128xf32> to vector<1024x127xf32>
    %concatenate3A_133 = tpu.concatenate %broadcast_in_dim3A_131, %slice3A_132 in 1 : vector<1024x1xf32>, vector<1024x127xf32> -> vector<1024x128xf32>
    %and3A_134 = arith.constant 63 : i32
    %and3A_135 = vector.broadcast %and3A_134 : i32 to vector<1024x128xi32>
    %and3A_136 = arith.andi %iota3A_129, %and3A_135 : vector<1024x128xi32>
    %eq3A_137 = arith.constant 0 : i32
    %eq3A_138 = vector.broadcast %eq3A_137 : i32 to vector<1024x128xi32>
    %eq3A_139 = arith.cmpi eq, %and3A_136, %eq3A_138 : vector<1024x128xi32>
    %jit3A_140 = arith.constant 1.000000e+00 : f32
    %broadcast_in_dim3A_141 = vector.broadcast %jit3A_140 : f32 to vector<1024x128xf32>
    %select_n3A_142 = arith.select %eq3A_139, %broadcast_in_dim3A_141, %concatenate3A_133 : vector<1024x128xi1>, vector<1024x128xf32>
    %jit3A_143 = arith.constant 1.000000e+00 : f32
    %broadcast_in_dim3A_144 = vector.broadcast %jit3A_143 : f32 to vector<1024x128xf32>
    %select_n3A_145 = arith.select %lt3A_8, %max3A, %broadcast_in_dim3A_144 : vector<1024x128xi1>, vector<1024x128xf32>
    %mul3A_146 = arith.mulf %select_n3A_142, %select_n3A_145 : vector<1024x128xf32>
    %swap3A = arith.constant 0 : index
    %swap3A_147 = arith.constant 0 : index
    %swap3A_148 = vector.load %arg2[%swap3A, %swap3A_147] : memref<1024x128xf32, #tpu.memory_space<vmem>>, vector<1024x128xf32>
    tpu.vector_store %arg2[%swap3A, %swap3A_147], %mul3A_146 {strides = array<i32>} : memref<1024x128xf32, #tpu.memory_space<vmem>>, vector<1024x128xf32>,
    %lt3A_149 = arith.cmpf olt, %get3A_4, %logistic3A_103 : vector<1024x128xf32>
    %convert_element_type3A_150 = arith.extui %lt3A_149 : vector<1024x128xi1> to vector<1024x128xi32>
    %convert_element_type3A_151 = arith.sitofp %convert_element_type3A_150 : vector<1024x128xi32> to vector<1024x128xf32>
    %convert_element_type3A_152 = arith.truncf %convert_element_type3A_151 : vector<1024x128xf32> to vector<1024x128xbf16>
    %dot_general3A_153 = arith.constant dense<0.000000e+00> : vector<1024x128xf32>
    %dot_general3A_154 = tpu.matmul %convert_element_type3A_152, %convert_element_type3A_75, %dot_general3A_153 {dimension_numbers = #tpu.dot_dimension_numbers<[1], [0], [0], [1], [0, 0, 1, 1], [], []>, transpose_lhs_hint = false} : vector<1024x128xbf16>, vector<128x128xbf16>, vector<1024x128xf32> -> vector<1024x128xf32>
    %eq3A_155 = arith.constant 0.000000e+00 : f32
    %eq3A_156 = vector.broadcast %eq3A_155 : f32 to vector<1024x128xf32>
    %eq3A_157 = arith.cmpf oeq, %dot_general3A_154, %eq3A_156 : vector<1024x128xf32>
    %convert_element_type3A_158 = arith.extui %eq3A_157 : vector<1024x128xi1> to vector<1024x128xi32>
    %convert_element_type3A_159 = arith.sitofp %convert_element_type3A_158 : vector<1024x128xi32> to vector<1024x128xf32>
    %convert_element_type3A_160 = arith.truncf %convert_element_type3A_159 : vector<1024x128xf32> to vector<1024x128xbf16>
    %iota3A_161 = tpu.iota {dimensions = array<i32: 0>} : vector<128x2xi32>
    %iota3A_162 = tpu.iota {dimensions = array<i32: 1>} : vector<128x2xi32>
    %jit3A_163 = arith.constant 64 : i32
    %div3A_164 = vector.broadcast %jit3A_163 : i32 to vector<128x2xi32>
    %div3A_165 = arith.divsi %iota3A_161, %div3A_164 : vector<128x2xi32>
    %sign3A_166 = arith.constant 0 : i32
    %sign3A_167 = vector.broadcast %sign3A_166 : i32 to vector<128x2xi32>
    %sign3A_168 = arith.cmpi sgt, %iota3A_161, %sign3A_167 : vector<128x2xi32>
    %sign3A_169 = arith.extui %sign3A_168 : vector<128x2xi1> to vector<128x2xi32>
    %sign3A_170 = arith.constant 0 : i32
    %sign3A_171 = vector.broadcast %sign3A_170 : i32 to vector<128x2xi32>
    %sign3A_172 = arith.cmpi slt, %iota3A_161, %sign3A_171 : vector<128x2xi32>
    %sign3A_173 = arith.extui %sign3A_172 : vector<128x2xi1> to vector<128x2xi32>
    %sign3A_174 = arith.subi %sign3A_169, %sign3A_173 : vector<128x2xi32>
    %sign3A_175 = arith.constant 0 : i32
    %sign3A_176 = arith.cmpi sgt, %jit3A_163, %sign3A_175 : i32
    %sign3A_177 = arith.extui %sign3A_176 : i1 to i32
    %sign3A_178 = arith.constant 0 : i32
    %sign3A_179 = arith.cmpi slt, %jit3A_163, %sign3A_178 : i32
    %sign3A_180 = arith.extui %sign3A_179 : i1 to i32
    %sign3A_181 = arith.subi %sign3A_177, %sign3A_180 : i32
    %ne3A_182 = vector.broadcast %sign3A_181 : i32 to vector<128x2xi32>
    %ne3A_183 = arith.cmpi ne, %sign3A_174, %ne3A_182 : vector<128x2xi32>
    %rem3A_184 = vector.broadcast %jit3A_163 : i32 to vector<128x2xi32>
    %rem3A_185 = arith.remsi %iota3A_161, %rem3A_184 : vector<128x2xi32>
    %ne3A_186 = arith.constant 0 : i32
    %ne3A_187 = vector.broadcast %ne3A_186 : i32 to vector<128x2xi32>
    %ne3A_188 = arith.cmpi ne, %rem3A_185, %ne3A_187 : vector<128x2xi32>
    %and3A_189 = arith.andi %ne3A_183, %ne3A_188 : vector<128x2xi1>
    %sub3A_190 = arith.constant 1 : i32
    %sub3A_191 = vector.broadcast %sub3A_190 : i32 to vector<128x2xi32>
    %sub3A_192 = arith.subi %div3A_165, %sub3A_191 : vector<128x2xi32>
    %select_n3A_193 = arith.select %and3A_189, %sub3A_192, %div3A_165 : vector<128x2xi1>, vector<128x2xi32>
    %eq3A_194 = arith.cmpi eq, %select_n3A_193, %iota3A_162 : vector<128x2xi32>
    %and3A_195 = arith.constant 63 : i32
    %and3A_196 = vector.broadcast %and3A_195 : i32 to vector<128x2xi32>
    %and3A_197 = arith.andi %iota3A_161, %and3A_196 : vector<128x2xi32>
    %lt3A_198 = arith.constant 63 : i32
    %lt3A_199 = vector.broadcast %lt3A_198 : i32 to vector<128x2xi32>
    %lt3A_200 = arith.cmpi slt, %and3A_197, %lt3A_199 : vector<128x2xi32>
    %and3A_201 = arith.andi %eq3A_194, %lt3A_200 : vector<128x2xi1>
    %convert_element_type3A_202 = arith.extui %and3A_201 : vector<128x2xi1> to vector<128x2xi32>
    %convert_element_type3A_203 = arith.sitofp %convert_element_type3A_202 : vector<128x2xi32> to vector<128x2xf32>
    %convert_element_type3A_204 = arith.truncf %convert_element_type3A_203 : vector<128x2xf32> to vector<128x2xbf16>
    %dot_general3A_205 = arith.constant dense<0.000000e+00> : vector<1024x2xf32>
    %dot_general3A_206 = tpu.matmul %convert_element_type3A_160, %convert_element_type3A_204, %dot_general3A_205 {dimension_numbers = #tpu.dot_dimension_numbers<[1], [0], [0], [1], [0, 0, 1, 1], [], []>, transpose_lhs_hint = false} : vector<1024x128xbf16>, vector<128x2xbf16>, vector<1024x2xf32> -> vector<1024x2xf32>
    %convert_element_type3A_207 = arith.fptosi %dot_general3A_206 : vector<1024x2xf32> to vector<1024x2xi32>
    %swap3A_208 = arith.constant 0 : index
    %swap3A_209 = arith.constant 0 : index
    %swap3A_210 = vector.load %arg3[%swap3A_208, %swap3A_209] : memref<1024x2xi32, #tpu.memory_space<vmem>>, vector<1024x2xi32>
    tpu.vector_store %arg3[%swap3A_208, %swap3A_209], %convert_element_type3A_207 {strides = array<i32>} : memref<1024x2xi32, #tpu.memory_space<vmem>>, vector<1024x2xi32>,
    %gt3A_211 = arith.constant -2.000000e-02 : f32
    %gt3A_212 = vector.broadcast %gt3A_211 : f32 to vector<1024x128xf32>
    %gt3A_213 = arith.cmpf ogt, %select_n3A_98, %gt3A_212 : vector<1024x128xf32>
    %lt3A_214 = arith.constant 9.000000e-05 : f32
    %lt3A_215 = vector.broadcast %lt3A_214 : f32 to vector<1024x128xf32>
    %lt3A_216 = arith.cmpf olt, %select_n3A_98, %lt3A_215 : vector<1024x128xf32>
    %and3A_217 = arith.andi %gt3A_213, %lt3A_216 : vector<1024x128xi1>
    %sub3A_218 = arith.subf %get3A_4, %logistic3A_103 : vector<1024x128xf32>
    %abs3A = math.absf %sub3A_218 : vector<1024x128xf32>
    %lt3A_219 = arith.constant 9.99999974E-6 : f32
    %lt3A_220 = vector.broadcast %lt3A_219 : f32 to vector<1024x128xf32>
    %lt3A_221 = arith.cmpf olt, %abs3A, %lt3A_220 : vector<1024x128xf32>
    %or3A = arith.ori %and3A_217, %lt3A_221 : vector<1024x128xi1>
    %and3A_222 = arith.andi %lt3A_8, %or3A : vector<1024x128xi1>
    %convert_element_type3A_223 = arith.extui %and3A_222 : vector<1024x128xi1> to vector<1024x128xi32>
    %convert_element_type3A_224 = arith.sitofp %convert_element_type3A_223 : vector<1024x128xi32> to vector<1024x128xf32>
    %convert_element_type3A_225 = arith.truncf %convert_element_type3A_224 : vector<1024x128xf32> to vector<1024x128xbf16>
    %convert_element_type3A_226 = arith.extui %eq3A_194 : vector<128x2xi1> to vector<128x2xi32>
    %convert_element_type3A_227 = arith.sitofp %convert_element_type3A_226 : vector<128x2xi32> to vector<128x2xf32>
    %convert_element_type3A_228 = arith.truncf %convert_element_type3A_227 : vector<128x2xf32> to vector<128x2xbf16>
    %dot_general3A_229 = arith.constant dense<0.000000e+00> : vector<1024x2xf32>
    %dot_general3A_230 = tpu.matmul %convert_element_type3A_225, %convert_element_type3A_228, %dot_general3A_229 {dimension_numbers = #tpu.dot_dimension_numbers<[1], [0], [0], [1], [0, 0, 1, 1], [], []>, transpose_lhs_hint = false} : vector<1024x128xbf16>, vector<128x2xbf16>, vector<1024x2xf32> -> vector<1024x2xf32>
    %gt3A_231 = arith.constant 0.000000e+00 : f32
    %gt3A_232 = vector.broadcast %gt3A_231 : f32 to vector<1024x2xf32>
    %gt3A_233 = arith.cmpf ogt, %dot_general3A_230, %gt3A_232 : vector<1024x2xf32>
    %convert_element_type3A_234 = arith.extui %gt3A_233 : vector<1024x2xi1> to vector<1024x2xi32>
    %swap3A_235 = arith.constant 0 : index
    %swap3A_236 = arith.constant 0 : index
    %swap3A_237 = vector.load %arg4[%swap3A_235, %swap3A_236] : memref<1024x2xi32, #tpu.memory_space<vmem>>, vector<1024x2xi32>
    tpu.vector_store %arg4[%swap3A_235, %swap3A_236], %convert_element_type3A_234 {strides = array<i32>} : memref<1024x2xi32, #tpu.memory_space<vmem>>, vector<1024x2xi32>,
    return
  }
}

module attributes {stable_mosaic.version = 14 : i64} {
  func.func @_fix_kernel(%arg0: memref<128xi32, #tpu.memory_space<smem>>, %arg1: memref<2048x64xf32, #tpu.memory_space<vmem>>, %arg2: memref<2048x64xf32, #tpu.memory_space<vmem>>, %arg3: memref<2048x64xf32, #tpu.memory_space<vmem>>, %arg4: memref<2048x1xi32, #tpu.memory_space<vmem>>, %arg5: memref<2048x64xf32, #tpu.memory_space<vmem>>, %arg6: memref<2048x1xi32, #tpu.memory_space<vmem>>, %arg7: memref<128x64xf32, #tpu.memory_space<vmem>>, %arg8: memref<128x64xf32, #tpu.memory_space<vmem>>, %arg9: memref<128x64xf32, #tpu.memory_space<vmem>>, %arg10: memref<128x1xi32, #tpu.memory_space<vmem>>) attributes {dimension_semantics = [], scalar_prefetch = 0 : i64, scratch_operands = 4 : i64, tpu.core_type = #tpu.core_type<tc>} {
    %get3A = arith.constant 0 : index
    %get3A_0 = arith.constant 0 : index
    %get3A_1 = vector.load %arg3[%get3A, %get3A_0] : memref<2048x64xf32, #tpu.memory_space<vmem>>, vector<2048x64xf32>
    %swap3A = arith.constant 0 : index
    %swap3A_2 = arith.constant 0 : index
    %swap3A_3 = vector.load %arg5[%swap3A, %swap3A_2] : memref<2048x64xf32, #tpu.memory_space<vmem>>, vector<2048x64xf32>
    tpu.vector_store %arg5[%swap3A, %swap3A_2], %get3A_1 {strides = array<i32>} : memref<2048x64xf32, #tpu.memory_space<vmem>>, vector<2048x64xf32>,
    %get3A_4 = arith.constant 0 : index
    %get3A_5 = arith.constant 0 : index
    %get3A_6 = vector.load %arg4[%get3A_4, %get3A_5] : memref<2048x1xi32, #tpu.memory_space<vmem>>, vector<2048x1xi32>
    %swap3A_7 = arith.constant 0 : index
    %swap3A_8 = arith.constant 0 : index
    %swap3A_9 = vector.load %arg6[%swap3A_7, %swap3A_8] : memref<2048x1xi32, #tpu.memory_space<vmem>>, vector<2048x1xi32>
    tpu.vector_store %arg6[%swap3A_7, %swap3A_8], %get3A_6 {strides = array<i32>} : memref<2048x1xi32, #tpu.memory_space<vmem>>, vector<2048x1xi32>,
    %scan3A = arith.constant 0 : i32
    %scan3A_10 = arith.constant 128 : i32
    %scan3A_11 = arith.addi %scan3A, %scan3A_10 : i32
    %scan3A_12 = arith.constant 1 : i32
    scf.for %scan3A_118 = %scan3A to %scan3A_11 step %scan3A_12  : i32 {
      %get3A_119 = arith.index_cast %scan3A_118 : i32 to index
      %get3A_120 = memref.load %arg0[%get3A_119] : memref<128xi32, #tpu.memory_space<smem>>
      %get3A_121 = arith.index_cast %get3A_120 : i32 to index
      %get3A_122 = arith.constant 0 : index
      %get3A_123 = vector.load %arg1[%get3A_121, %get3A_122] : memref<2048x64xf32, #tpu.memory_space<vmem>>, vector<1x64xf32>
      %swap3A_124 = arith.index_cast %scan3A_118 : i32 to index
      %swap3A_125 = arith.constant 0 : index
      %swap3A_126 = vector.load %arg7[%swap3A_124, %swap3A_125] : memref<128x64xf32, #tpu.memory_space<vmem>>, vector<1x64xf32>
      tpu.vector_store %arg7[%swap3A_124, %swap3A_125], %get3A_123 {strides = array<i32>} : memref<128x64xf32, #tpu.memory_space<vmem>>, vector<1x64xf32>,
      %get3A_127 = arith.index_cast %get3A_120 : i32 to index
      %get3A_128 = arith.constant 0 : index
      %get3A_129 = vector.load %arg2[%get3A_127, %get3A_128] : memref<2048x64xf32, #tpu.memory_space<vmem>>, vector<1x64xf32>
      %swap3A_130 = arith.index_cast %scan3A_118 : i32 to index
      %swap3A_131 = arith.constant 0 : index
      %swap3A_132 = vector.load %arg8[%swap3A_130, %swap3A_131] : memref<128x64xf32, #tpu.memory_space<vmem>>, vector<1x64xf32>
      tpu.vector_store %arg8[%swap3A_130, %swap3A_131], %get3A_129 {strides = array<i32>} : memref<128x64xf32, #tpu.memory_space<vmem>>, vector<1x64xf32>,
    }
    %scan3A_13 = arith.constant 128 : i32
    %get3A_14 = arith.constant 0 : index
    %get3A_15 = arith.constant 0 : index
    %get3A_16 = vector.load %arg7[%get3A_14, %get3A_15] : memref<128x64xf32, #tpu.memory_space<vmem>>, vector<128x64xf32>
    %get3A_17 = arith.constant 0 : index
    %get3A_18 = arith.constant 0 : index
    %get3A_19 = vector.load %arg8[%get3A_17, %get3A_18] : memref<128x64xf32, #tpu.memory_space<vmem>>, vector<128x64xf32>
    %iota3A = tpu.iota {dimensions = array<i32: 1>} : vector<128x64xi32>
    %lt3A = arith.constant 63 : i32
    %lt3A_20 = vector.broadcast %lt3A : i32 to vector<128x64xi32>
    %lt3A_21 = arith.cmpi slt, %iota3A, %lt3A_20 : vector<128x64xi32>
    %broadcast_in_dim3A = vector.shape_cast %get3A_16 : vector<128x64xf32> to vector<128x1x64xf32>
    %broadcast_in_dim3A_22 = vector.shape_cast %broadcast_in_dim3A : vector<128x1x64xf32> to vector<128x1x64xf32>
    %broadcast_in_dim3A_23 = vector.broadcast %broadcast_in_dim3A_22 : vector<128x1x64xf32> to vector<128x64x64xf32>
    %iota3A_24 = tpu.iota {dimensions = array<i32: 1>} : vector<128x64x64xi32>
    %iota3A_25 = tpu.iota {dimensions = array<i32: 2>} : vector<128x64x64xi32>
    %le3A = arith.cmpi sle, %iota3A_25, %iota3A_24 : vector<128x64x64xi32>
    %jit3A = arith.constant 0xFF800000 : f32
    %broadcast_in_dim3A_26 = vector.broadcast %jit3A : f32 to vector<128x64x64xf32>
    %select_n3A = arith.select %le3A, %broadcast_in_dim3A_26, %broadcast_in_dim3A_23 : vector<128x64x64xi1>, vector<128x64x64xf32>
    %reduce_max3A = arith.constant dense<0xFF800000> : vector<128x64xf32>
    %reduce_max3A_27 = vector.multi_reduction <maximumf>, %select_n3A, %reduce_max3A [2] : vector<128x64x64xf32> to vector<128x64xf32>
    %broadcast_in_dim3A_28 = vector.shape_cast %reduce_max3A_27 : vector<128x64xf32> to vector<128x64x1xf32>
    %sub3A = vector.broadcast %broadcast_in_dim3A_28 : vector<128x64x1xf32> to vector<128x64x64xf32>
    %sub3A_29 = arith.subf %select_n3A, %sub3A : vector<128x64x64xf32>
    %exp3A = math.exp %sub3A_29 : vector<128x64x64xf32>
    %reduce_sum3A = arith.constant dense<0.000000e+00> : vector<128x64xf32>
    %reduce_sum3A_30 = vector.multi_reduction <add>, %exp3A, %reduce_sum3A [2] : vector<128x64x64xf32> to vector<128x64xf32>
    %log3A = math.log %reduce_sum3A_30 : vector<128x64xf32>
    %squeeze3A = vector.shape_cast %broadcast_in_dim3A_28 : vector<128x64x1xf32> to vector<128x64xf32>
    %add3A = arith.addf %log3A, %squeeze3A : vector<128x64xf32>
    %sub3A_31 = arith.subf %get3A_16, %add3A : vector<128x64xf32>
    %jit3A_32 = arith.constant 0.000000e+00 : f32
    %broadcast_in_dim3A_33 = vector.broadcast %jit3A_32 : f32 to vector<128x64xf32>
    %select_n3A_34 = arith.select %lt3A_21, %sub3A_31, %broadcast_in_dim3A_33 : vector<128x64xi1>, vector<128x64xf32>
    %logistic3A = arith.negf %select_n3A_34 : vector<128x64xf32>
    %logistic3A_35 = math.exp %logistic3A : vector<128x64xf32>
    %logistic3A_36 = arith.constant 1.000000e+00 : f32
    %logistic3A_37 = vector.broadcast %logistic3A_36 : f32 to vector<128x64xf32>
    %logistic3A_38 = arith.addf %logistic3A_37, %logistic3A_35 : vector<128x64xf32>
    %logistic3A_39 = arith.divf %logistic3A_37, %logistic3A_38 : vector<128x64xf32>
    %abs3A = math.absf %select_n3A_34 : vector<128x64xf32>
    %logistic3A_40 = arith.negf %abs3A : vector<128x64xf32>
    %logistic3A_41 = math.exp %logistic3A_40 : vector<128x64xf32>
    %logistic3A_42 = arith.constant 1.000000e+00 : f32
    %logistic3A_43 = vector.broadcast %logistic3A_42 : f32 to vector<128x64xf32>
    %logistic3A_44 = arith.addf %logistic3A_43, %logistic3A_41 : vector<128x64xf32>
    %logistic3A_45 = arith.divf %logistic3A_43, %logistic3A_44 : vector<128x64xf32>
    %ge3A = arith.constant -9.99999974E-6 : f32
    %ge3A_46 = vector.broadcast %ge3A : f32 to vector<128x64xf32>
    %ge3A_47 = arith.cmpf oge, %select_n3A_34, %ge3A_46 : vector<128x64xf32>
    %mul3A = arith.constant 2.000000e+00 : f32
    %mul3A_48 = vector.broadcast %mul3A : f32 to vector<128x64xf32>
    %mul3A_49 = arith.mulf %mul3A_48, %logistic3A_39 : vector<128x64xf32>
    %sub3A_50 = arith.constant 1.000000e+00 : f32
    %sub3A_51 = vector.broadcast %sub3A_50 : f32 to vector<128x64xf32>
    %sub3A_52 = arith.subf %sub3A_51, %mul3A_49 : vector<128x64xf32>
    %jit3A_53 = arith.constant 1.000000e+00 : f32
    %broadcast_in_dim3A_54 = vector.broadcast %jit3A_53 : f32 to vector<128x64xf32>
    %select_n3A_55 = arith.select %ge3A_47, %broadcast_in_dim3A_54, %sub3A_52 : vector<128x64xi1>, vector<128x64xf32>
    %sub3A_56 = arith.constant 1.000000e+00 : f32
    %sub3A_57 = vector.broadcast %sub3A_56 : f32 to vector<128x64xf32>
    %sub3A_58 = arith.subf %sub3A_57, %logistic3A_39 : vector<128x64xf32>
    %integer_pow3A = arith.mulf %sub3A_58, %sub3A_58 : vector<128x64xf32>
    %div3A = arith.divf %integer_pow3A, %select_n3A_55 : vector<128x64xf32>
    %jit3A_59 = arith.constant 0.000000e+00 : f32
    %broadcast_in_dim3A_60 = vector.broadcast %jit3A_59 : f32 to vector<128x64xf32>
    %select_n3A_61 = arith.select %ge3A_47, %broadcast_in_dim3A_60, %div3A : vector<128x64xi1>, vector<128x64xf32>
    %jit3A_62 = arith.constant 0.000000e+00 : f32
    %broadcast_in_dim3A_63 = vector.broadcast %jit3A_62 : f32 to vector<128x64xf32>
    %select_n3A_64 = arith.select %lt3A_21, %select_n3A_61, %broadcast_in_dim3A_63 : vector<128x64xi1>, vector<128x64xf32>
    %broadcast_in_dim3A_65 = arith.constant 1.000000e+00 : f32
    %broadcast_in_dim3A_66 = vector.broadcast %broadcast_in_dim3A_65 : f32 to vector<128x1xf32>
    %slice3A = vector.extract_strided_slice %select_n3A_64 {offsets = [0, 0], sizes = [128, 63], strides = [1, 1]} : vector<128x64xf32> to vector<128x63xf32>
    %concatenate3A = tpu.concatenate %broadcast_in_dim3A_66, %slice3A in 1 : vector<128x1xf32>, vector<128x63xf32> -> vector<128x64xf32>
    %mul3A_67 = arith.mulf %select_n3A_64, %concatenate3A : vector<128x64xf32>
    %broadcast_in_dim3A_68 = arith.constant 1.000000e+00 : f32
    %broadcast_in_dim3A_69 = vector.broadcast %broadcast_in_dim3A_68 : f32 to vector<128x2xf32>
    %slice3A_70 = vector.extract_strided_slice %mul3A_67 {offsets = [0, 0], sizes = [128, 62], strides = [1, 1]} : vector<128x64xf32> to vector<128x62xf32>
    %concatenate3A_71 = tpu.concatenate %broadcast_in_dim3A_69, %slice3A_70 in 1 : vector<128x2xf32>, vector<128x62xf32> -> vector<128x64xf32>
    %mul3A_72 = arith.mulf %mul3A_67, %concatenate3A_71 : vector<128x64xf32>
    %broadcast_in_dim3A_73 = arith.constant 1.000000e+00 : f32
    %broadcast_in_dim3A_74 = vector.broadcast %broadcast_in_dim3A_73 : f32 to vector<128x4xf32>
    %slice3A_75 = vector.extract_strided_slice %mul3A_72 {offsets = [0, 0], sizes = [128, 60], strides = [1, 1]} : vector<128x64xf32> to vector<128x60xf32>
    %concatenate3A_76 = tpu.concatenate %broadcast_in_dim3A_74, %slice3A_75 in 1 : vector<128x4xf32>, vector<128x60xf32> -> vector<128x64xf32>
    %mul3A_77 = arith.mulf %mul3A_72, %concatenate3A_76 : vector<128x64xf32>
    %broadcast_in_dim3A_78 = arith.constant 1.000000e+00 : f32
    %broadcast_in_dim3A_79 = vector.broadcast %broadcast_in_dim3A_78 : f32 to vector<128x8xf32>
    %slice3A_80 = vector.extract_strided_slice %mul3A_77 {offsets = [0, 0], sizes = [128, 56], strides = [1, 1]} : vector<128x64xf32> to vector<128x56xf32>
    %concatenate3A_81 = tpu.concatenate %broadcast_in_dim3A_79, %slice3A_80 in 1 : vector<128x8xf32>, vector<128x56xf32> -> vector<128x64xf32>
    %mul3A_82 = arith.mulf %mul3A_77, %concatenate3A_81 : vector<128x64xf32>
    %broadcast_in_dim3A_83 = arith.constant 1.000000e+00 : f32
    %broadcast_in_dim3A_84 = vector.broadcast %broadcast_in_dim3A_83 : f32 to vector<128x16xf32>
    %slice3A_85 = vector.extract_strided_slice %mul3A_82 {offsets = [0, 0], sizes = [128, 48], strides = [1, 1]} : vector<128x64xf32> to vector<128x48xf32>
    %concatenate3A_86 = tpu.concatenate %broadcast_in_dim3A_84, %slice3A_85 in 1 : vector<128x16xf32>, vector<128x48xf32> -> vector<128x64xf32>
    %mul3A_87 = arith.mulf %mul3A_82, %concatenate3A_86 : vector<128x64xf32>
    %broadcast_in_dim3A_88 = arith.constant 1.000000e+00 : f32
    %broadcast_in_dim3A_89 = vector.broadcast %broadcast_in_dim3A_88 : f32 to vector<128x32xf32>
    %slice3A_90 = vector.extract_strided_slice %mul3A_87 {offsets = [0, 0], sizes = [128, 32], strides = [1, 1]} : vector<128x64xf32> to vector<128x32xf32>
    %concatenate3A_91 = tpu.concatenate %broadcast_in_dim3A_89, %slice3A_90 in 1 : vector<128x32xf32>, vector<128x32xf32> -> vector<128x64xf32>
    %mul3A_92 = arith.mulf %mul3A_87, %concatenate3A_91 : vector<128x64xf32>
    %broadcast_in_dim3A_93 = arith.constant 1.000000e+00 : f32
    %broadcast_in_dim3A_94 = vector.broadcast %broadcast_in_dim3A_93 : f32 to vector<128x1xf32>
    %slice3A_95 = vector.extract_strided_slice %mul3A_92 {offsets = [0, 0], sizes = [128, 63], strides = [1, 1]} : vector<128x64xf32> to vector<128x63xf32>
    %concatenate3A_96 = tpu.concatenate %broadcast_in_dim3A_94, %slice3A_95 in 1 : vector<128x1xf32>, vector<128x63xf32> -> vector<128x64xf32>
    %jit3A_97 = arith.constant 1.000000e+00 : f32
    %broadcast_in_dim3A_98 = vector.broadcast %jit3A_97 : f32 to vector<128x64xf32>
    %select_n3A_99 = arith.select %lt3A_21, %logistic3A_45, %broadcast_in_dim3A_98 : vector<128x64xi1>, vector<128x64xf32>
    %mul3A_100 = arith.mulf %concatenate3A_96, %select_n3A_99 : vector<128x64xf32>
    %swap3A_101 = arith.constant 0 : index
    %swap3A_102 = arith.constant 0 : index
    %swap3A_103 = vector.load %arg9[%swap3A_101, %swap3A_102] : memref<128x64xf32, #tpu.memory_space<vmem>>, vector<128x64xf32>
    tpu.vector_store %arg9[%swap3A_101, %swap3A_102], %mul3A_100 {strides = array<i32>} : memref<128x64xf32, #tpu.memory_space<vmem>>, vector<128x64xf32>,
    %lt3A_104 = arith.cmpf olt, %get3A_19, %logistic3A_39 : vector<128x64xf32>
    %and3A = arith.andi %lt3A_104, %lt3A_21 : vector<128x64xi1>
    %jit3A_105 = arith.constant 63 : i32
    %broadcast_in_dim3A_106 = vector.broadcast %jit3A_105 : i32 to vector<128x64xi32>
    %select_n3A_107 = arith.select %and3A, %iota3A, %broadcast_in_dim3A_106 : vector<128x64xi1>, vector<128x64xi32>
    %reduce_min3A = arith.constant dense<2147483647> : vector<128xi32>
    %reduce_min3A_108 = vector.multi_reduction <minsi>, %select_n3A_107, %reduce_min3A [1] : vector<128x64xi32> to vector<128xi32>
    %broadcast_in_dim3A_109 = vector.shape_cast %reduce_min3A_108 : vector<128xi32> to vector<128x1xi32>
    %swap3A_110 = arith.constant 0 : index
    %swap3A_111 = arith.constant 0 : index
    %swap3A_112 = vector.load %arg10[%swap3A_110, %swap3A_111] : memref<128x1xi32, #tpu.memory_space<vmem>>, vector<128x1xi32>
    tpu.vector_store %arg10[%swap3A_110, %swap3A_111], %broadcast_in_dim3A_109 {strides = array<i32>} : memref<128x1xi32, #tpu.memory_space<vmem>>, vector<128x1xi32>,
    %scan3A_113 = arith.constant 0 : i32
    %scan3A_114 = arith.constant 128 : i32
    %scan3A_115 = arith.addi %scan3A_113, %scan3A_114 : i32
    %scan3A_116 = arith.constant 1 : i32
    scf.for %scan3A_118 = %scan3A_113 to %scan3A_115 step %scan3A_116  : i32 {
      %get3A_119 = arith.index_cast %scan3A_118 : i32 to index
      %get3A_120 = memref.load %arg0[%get3A_119] : memref<128xi32, #tpu.memory_space<smem>>
      %get3A_121 = arith.index_cast %scan3A_118 : i32 to index
      %get3A_122 = arith.constant 0 : index
      %get3A_123 = vector.load %arg9[%get3A_121, %get3A_122] : memref<128x64xf32, #tpu.memory_space<vmem>>, vector<1x64xf32>
      %swap3A_124 = arith.index_cast %get3A_120 : i32 to index
      %swap3A_125 = arith.constant 0 : index
      %swap3A_126 = vector.load %arg5[%swap3A_124, %swap3A_125] : memref<2048x64xf32, #tpu.memory_space<vmem>>, vector<1x64xf32>
      tpu.vector_store %arg5[%swap3A_124, %swap3A_125], %get3A_123 {strides = array<i32>} : memref<2048x64xf32, #tpu.memory_space<vmem>>, vector<1x64xf32>,
      %get3A_127 = arith.index_cast %scan3A_118 : i32 to index
      %get3A_128 = arith.constant 0 : index
      %get3A_129 = vector.load %arg10[%get3A_127, %get3A_128] : memref<128x1xi32, #tpu.memory_space<vmem>>, vector<1x1xi32>
      %swap3A_130 = arith.index_cast %get3A_120 : i32 to index
      %swap3A_131 = arith.constant 0 : index
      %swap3A_132 = vector.load %arg6[%swap3A_130, %swap3A_131] : memref<2048x1xi32, #tpu.memory_space<vmem>>, vector<1x1xi32>
      tpu.vector_store %arg6[%swap3A_130, %swap3A_131], %get3A_129 {strides = array<i32>} : memref<2048x1xi32, #tpu.memory_space<vmem>>, vector<1x1xi32>,
    }
    %scan3A_117 = arith.constant 128 : i32
    return
  }
}

</mosaic_0001>

<sc_bundles>
// kernel: scatter_offload_async_start
scs
__scs_entry_jumppad:
0x0: {  	(pc) =	sbr.rel $0x88, $3  }
0x1: {  	(tag) =	ssettag $0x0;
	lr =	simm.s32 $0x1  }
0x2: {  	[smem:$0x3F9F] =	sst lr;
	_ =	strace $0xD0000000  }
0x3: {  	_ = 	snop  }
0x4: {  	_ = 	snop  }
0x5: {  	_ = 	snop  }
0x6: {  	_ = 	snop  }
0x7: {  	_ = 	snop  }
__scs_overlays_trampoline_lowered:
0x8: {  	[smem:$0x3FAE] =	sst s0  }
0x9: {  	[smem:$0x3FAF] =	sst s1  }
0xa: {  	[smem:$0x3FB0] =	sst s2  }
0xb: {  	[smem:$0x3FB1] =	sst s3  }
0xc: {  	[smem:$0x3FB2] =	sst s4  }
0xd: {  	[smem:$0x3FB3] =	sst s5  }
0xe: {  	[smem:$0x3FB4] =	sst s6  }
0xf: {  	[smem:$0x3FB5] =	sst s7  }
0x10: {  	[smem:$0x3FB6] =	sst s8  }
0x11: {  	[smem:$0x3FB7] =	sst s9;
	s0 =	simm.s32 @!p0 $0x0  }
0x12: {  	s1 =	sld [smem:$0x3F9D];
	s0 =	simm.s32 @p0 $0x1  }
0x13: {  	[smem:$0x3FB8] =	sst s0;
	s0 =	simm.s32 @!p1 $0x0  }
0x14: {  	s2 =	sld [smem:$0x3F9C];
	s0 =	simm.s32 @p1 $0x1  }
0x15: {  	[smem:$0x3FB9] =	sst s0;
	s0 =	simm.s32 @!p2 $0x0  }
0x16: {  	s3 =	sld [smem:$0x3FDB];
	s0 =	simm.s32 @p2 $0x1  }
0x17: {  	s4 =	simm.s32 $0x1BF5;
	[smem:$0x3FBB] =	sst s0  }
0x18: {  	s0 =	sld [smem:$0x3F9E];
	_ =	swait.ge [sflag:s4], $0x0  }
0x19: {  	s7 =	sld [smem:$0x3F9F]  }
0x1a: {  	s8 =	sadd.s32 $0xFFFFE003, lr  }
0x1b: {  	s9 =	sadd.s32 $0xFFFFFEF7, lr;
	s5 =	simm.s32 $0xFFFFFFFF;
	p2 =	slt.u32 s8, $0xFFFFF086  }
0x1c: {  	p1 =	slt.u32 s9, $0xF7A;
	s5 =	simm.s32 @!p2 $0x0  }
0x1d: {  	s5 =	simm.s32 @p1 $0x1;
	p0 =	seq.s32 s7, s2  }
0x1e: {  	s7 =	smul.u32 @!p0 $0xF7A, s2;
	p2 =	seq.s32 @!p0 s5, $0x0  }
0x1f: {  	s9 =	smul.u32 $0xF7A, s1;
	s8 =	simm.s32 @!p0 $0x1BF5;
	p2 =	por !p2, p0  }
0x20: {  	[sflag:s8] =	ssyncset.s32 @!p0 $0xFFFFF086;
	s6 =	sadd.s32 @!p0 s3, s7;
	s7 =	simm.s32 @!p0 $0x108  }
0x21: {  	s3 =	sadd.s32 s3, s9;
	s6 =	sadd.s32 @!p0 $0x88, s6;
	s7 =	simm.s32 @p2 $0x1082  }
0x22: {  	[simem:s7], [sflag:s8] =	dma.local @!p0 [hbm:s6], $0xF7A  }
0x23: {  	s9 =	sor.u32 $0xD0000000, s2;
	s6 =	simm.s32 $0x108;
	_ =	swait.ge @!p0 [sflag:s8], $0x0  }
0x24: {  	s3 =	sadd.s32 $0x88, s3;
	s6 =	simm.s32 @!p1 $0x1082;
	[sflag:s4] =	ssyncset.s32 $0xFFFFF086  }
0x25: {  	[simem:s6], [sflag:s4] =	dma.local [hbm:s3], $0xF7A  }
0x26: {  	[smem:$0x3F9F] =	sst s1;
	(tag) =	ssettag s2;
	_ =	strace s9  }
0x27: {  	s1 =	sld [smem:$0x3FAF]  }
0x28: {  	s2 =	sld [smem:$0x3FB0]  }
0x29: {  	s4 =	sld [smem:$0x3FB2]  }
0x2a: {  	p0 =	seq.s32 s5, $0x0;
	s5 =	sld [smem:$0x3FB3]  }
0x2b: {  	s6 =	sld [smem:$0x3FB4]  }
0x2c: {  	s7 =	sld [smem:$0x3FB5]  }
0x2d: {  	s3 =	simm.s32 $0x108;
	s8 =	sld [smem:$0x3FB6]  }
0x2e: {  	s3 =	simm.s32 @!p0 $0x1082;
	s9 =	sld [smem:$0x3FB7]  }
0x2f: {  	lr =	sadd.s32 s0, s3;
	s0 =	sld [smem:$0x3FAE]  }
0x30: {  	s3 =	sld [smem:$0x3FB1]  }
0x31: {  	[smem:$0x3FBA] =	sst s10  }
0x32: {  	s10 =	sld [smem:$0x3FB8];
	_ =	sdelay $0x3  }
0x33: {  	p0 =	seq.s32 s10, $0x1;
	s10 =	sld [smem:$0x3FBA];
	_ =	sdelay $0x3  }
0x34: {  	[smem:$0x3FBA] =	sst s10  }
0x35: {  	s10 =	sld [smem:$0x3FB9];
	_ =	sdelay $0x3  }
0x36: {  	p1 =	seq.s32 s10, $0x1;
	s10 =	sld [smem:$0x3FBA];
	_ =	sdelay $0x3  }
0x37: {  	[smem:$0x3FBA] =	sst s10  }
0x38: {  	s10 =	sld [smem:$0x3FBB]  }
0x39: {  	_ = 	snop;
	(pc) =	sbr.ind lr, $3  }
0x3a: {  	_ = 	snop  }
0x3b: {  	_ = 	snop  }
0x3c: {  	p2 =	seq.s32 s10, $0x1;
	s10 =	sld [smem:$0x3FBA]  }
0x3d: {  	_ =	shalt  }
0x3e: {  	_ =	shalt  }
0x3f: {  	_ =	shalt  }
0x40: {  	_ =	shalt  }
0x41: {  	_ =	shalt  }
0x42: {  	_ =	shalt  }
0x43: {  	_ =	shalt  }
0x44: {  	_ =	shalt  }
0x45: {  	_ =	shalt  }
0x46: {  	_ =	shalt  }
0x47: {  	_ =	shalt  }
0x48: {  	_ =	shalt  }
0x49: {  	_ =	shalt  }
0x4a: {  	_ =	shalt  }
0x4b: {  	_ =	shalt  }
0x4c: {  	_ =	shalt  }
0x4d: {  	_ =	shalt  }
0x4e: {  	_ =	shalt  }
0x4f: {  	_ =	shalt  }
0x50: {  	_ =	shalt  }
0x51: {  	_ =	shalt  }
0x52: {  	_ =	shalt  }
0x53: {  	_ =	shalt  }
0x54: {  	_ =	shalt  }
0x55: {  	_ =	shalt  }
0x56: {  	_ =	shalt  }
0x57: {  	_ =	shalt  }
0x58: {  	_ =	shalt  }
0x59: {  	_ =	shalt  }
0x5a: {  	_ =	shalt  }
0x5b: {  	_ =	shalt  }
0x5c: {  	_ =	shalt  }
0x5d: {  	_ =	shalt  }
0x5e: {  	_ =	shalt  }
0x5f: {  	_ =	shalt  }
0x60: {  	_ =	shalt  }
0x61: {  	_ =	shalt  }
0x62: {  	_ =	shalt  }
0x63: {  	_ =	shalt  }
0x64: {  	_ =	shalt  }
0x65: {  	_ =	shalt  }
0x66: {  	_ =	shalt  }
0x67: {  	_ =	shalt  }
0x68: {  	_ =	shalt  }
0x69: {  	_ =	shalt  }
0x6a: {  	_ =	shalt  }
0x6b: {  	_ =	shalt  }
0x6c: {  	_ =	shalt  }
0x6d: {  	_ =	shalt  }
0x6e: {  	_ =	shalt  }
0x6f: {  	_ =	shalt  }
0x70: {  	_ =	shalt  }
0x71: {  	_ =	shalt  }
0x72: {  	_ =	shalt  }
0x73: {  	_ =	shalt  }
0x74: {  	_ =	shalt  }
0x75: {  	_ =	shalt  }
0x76: {  	_ =	shalt  }
0x77: {  	_ =	shalt  }
0x78: {  	_ =	shalt  }
0x79: {  	_ =	shalt  }
0x7a: {  	_ =	shalt  }
0x7b: {  	_ =	shalt  }
0x7c: {  	_ =	shalt  }
0x7d: {  	_ =	shalt  }
0x7e: {  	_ =	shalt  }
0x7f: {  	_ =	shalt  }
0x80: {  	_ =	shalt  }
0x81: {  	_ =	shalt  }
0x82: {  	_ =	shalt  }
0x83: {  	_ =	shalt  }
0x84: {  	_ =	shalt  }
0x85: {  	_ =	shalt  }
0x86: {  	_ =	shalt  }
0x87: {  	_ =	shalt  }
.Lfunc_end0:
.L_simem_size_0:
called_computation_lowered:
.L_overlay_start_0:
0x88: {  	s0 =	sld [smem:$0x3FD9]  }
0x89: {  	s1 =	sld [smem:$0x3FFE];
	_ =	sdelay $0x3  }
0x8a: {  	s0 =	sadd.s32 s1, s0  }
0x8b: {  	[smem:$0x3FC6] =	sst s0  }
0x8c: {  	_ = 	snop  }
0x8d: {  	s0 =	sld [smem:$0x3FD0];
	_ =	sdelay $0x2  }
0x8e: {  	s13 =	simm.s32 $0xA;
	s2 =	simm.s32 $0x10  }
0x8f: {  	[smem:s2], [sflag:s13] =	dma.local [hbm:s0], $0x1  }
0x90: {  	_ =	swait.eq [sflag:s13], $0x1  }
0x91: {  	[sflag:s13] =	ssyncset.done $0x0  }
0x92: {  	s14 =	sld [smem:$0x10];
	[sflag:s13] =	ssyncadd.s32 $0xFFFFFFFF  }
0x93: {  	s15 =	sld [smem:$0x11];
	(tm) =	ssettm $0x1  }
0x94: {  	s16 =	sld [smem:$0x3FFB];
	_ =	sdelay $0x3  }
0x95: {  	_ =	strace s16  }
0x96: {  	s2 =	sld [smem:$0x3FFC];
	_ =	sdelay $0x3  }
0x97: {  	_ =	strace s2  }
0x98: {  	s2 =	sld [smem:$0x3FFD];
	_ =	sdelay $0x3  }
0x99: {  	_ =	strace s2  }
0x9a: {  	_ =	strace $0x8FFFFFFF  }
0x9b: {  	s17 =	sld [smem:$0x3FDB];
	_ =	sdelay $0x1  }
0x9c: {  	s3 =	simm.s32 $_scs_section_size  }
0x9d: {  	s4 =	simm.s32 $_size__tile_overlayer_lowered;
	s5 =	simm.s32 $_tile_overlayer_lowered  }
0x9e: {  	s20 =	simm.s32 $0x1BFF;
	s19 =	sshll.u32 s5, $0x1;
	s2 =	sadd.s32 s3, s17  }
0x9f: {  	s6 =	simm.s32 $0x0;
	s18 =	sshll.u32 s4, $0x1;
	s4 =	sadd.s32 s19, s2  }
0xa0: {  	[timem:s6], [sflag:s20] =	dma.local [hbm:s4], s18  }
0xa1: {  	_ =	swait.ge [sflag:s20], s18  }
0xa2: {  	s3 =	ssub.s32 $0x0, s18;
	[sflag:s20] =	ssyncset.done $0x0  }
0xa3: {  	[sflag:s20] =	ssyncadd.s32 s3;
	_ =	sdelay $0x1  }
0xa4: {  	s21 =	simm.s32 $0x1B8B  }
0xa5: {  	_ =	swait.ge [sflag:s21], $0x1  }
0xa6: {  	[sflag:s21] =	ssyncset.done $0x0  }
0xa7: {  	s23 =	simm.s32 $0x1B8E;
	s22 =	sld [smem:$0x3FFE];
	[sflag:s21] =	ssyncadd.s32 $0xFFFFFFFF  }
0xa8: {  	s24 =	simm.s32 $execute0_lowered;
	[smem:$0x3FD2] =	sst s23  }
0xa9: {  	s4 =	sshll.u32 s24, $0x1;
	_ =	strace $0x80000046;
	[dreg:$0x1] =	wrdreg $0xFFFFFFFF  }
0xaa: {  	s25 =	simm.s32 $_size_execute0_lowered;
	s2 =	sadd.s32 s2, s4;
	[dreg:$0x0] =	wrdreg $0x0  }
0xab: {  	s4 =	sshll.u32 s25, $0x1;
	[dreg:$0x2] =	wrdreg s2  }
0xac: {  	[dreg:$0x3] =	wrdreg s4  }
0xad: {  	[dreg:$0x4] =	wrdreg $0xC0  }
0xae: {  	_ =	task [dreg:s6], $0x5FFFF  }
0xaf: {  	[dreg:$0x1] =	wrdreg $0xFFFFFFFF  }
0xb0: {  	[dreg:$0x0] =	wrdreg $0x60  }
0xb1: {  	[dreg:$0x2] =	wrdreg s22  }
0xb2: {  	[dreg:$0x3] =	wrdreg s15  }
0xb3: {  	[dreg:$0x4] =	wrdreg s14  }
0xb4: {  	[dreg:$0x5] =	wrdreg $0x9  }
0xb5: {  	_ =	task.clear_ibuf [dreg:s6], $0x6FFFF;
	_ =	strace $0x90000046  }
0xb6: {  	s26 =	simm.s32 $0x9;
	_ =	strace $0x80000048  }
0xb7: {  	_ =	swait.ge [sflag:s26], $0x1  }
0xb8: {  	[sflag:s26] =	ssyncadd.s32 $0xFFFFFFFF  }
0xb9: {  	_ =	strace $0x90000048  }
0xba: {  	_ =	sfence  }
0xbb: {  	s28 =	sld [smem:$0x0];
	_ =	sdelay $0x1  }
0xbc: {  	s29 =	srdreg.scid  }
0xbd: {  	s30 =	sshll.u32 s29, $0xD;
	s31 =	sshrl.u32 s29, $0x2  }
0xbe: {  	s1 =	sand.u32 $0x1, s29;
	s2 =	sand.u32 $0x4000, s30;
	s0 =	sadd.s32 s31, s28  }
0xbf: {  	s1 =	sor.u32 s2, s1;
	s0 =	sshll.u32 s0, $0x11  }
0xc0: {  	s0 =	sor.u32 s0, s1  }
0xc1: {  	s0 =	sadd.s32 $0x8F2B, s0  }
0xc2: {  	[sflag:s0] =	ssyncadd.remote.s32 $0x1  }
0xc3: {  	_ =	sfence.sel $0xFFFF  }
0xc4: {  	[dreg:$0x0] =	wrdreg $0xFFFFFFFF;
	(pc) =	sbr.abs _section_cstart, $3  }
0xc5: {  	[dreg:$0x1] =	wrdreg $0xFFFFFFFF  }
0xc6: {  	_ =	task.clear_ibuf [dreg:s6], $0x2FFFF;
	_ =	strace $0x9FFFFFFF  }
0xc7: {  	(tm) =	ssettm $0x7FFFFFFF  }
tec
execute0_lowered:
.L_overlay_start_1:
0x0: {  	(tag) =	ssettag $0x1  }
0x1: {  	s1 =	rddreg [dreg:$0x0]  }
0x2: {  	s3 =	rddreg [dreg:$0x1]  }
0x3: {  	s4 =	rddreg [dreg:$0x2]  }
0x4: {  	s0 =	rddreg [dreg:$0x3];
	_ =	strace $0x80000047;
	s5 =	stileid.u32  }
0x5: {  	s6 =	simm.s32 $0x3E;
	s1 =	sadd.s32 $0x200, s1;
	p0 =	sne.s32 s5, $0x0  }
0x6: {  	[sflag:s6] =	ssyncpa.u1 $0x0;
	s7 =	simm.s32 @!p0 $0x1C3E;
	s2 =	simm.s32 @!p0 $0x0  }
0x7: {  	[spmem:s2], [sflag:s7] =	dma.local @!p0 [hbm:s1], $0x10  }
0x8: {  	s7 =	simm.s32 @!p0 $0x3E  }
0x9: {  	_ =	swait.ge @!p0 [sflag:s7], $0x10  }
0xa: {  	[sflag:s7] =	ssyncset.done @!p0 $0x0  }
0xb: {  	[sflag:s7] =	ssyncadd.s32 @!p0 $0xFFFFFFF0  }
0xc: {  	s12 =	simm.s32 $0x1;
	[bflag:$0x0] =	sbarrier.arrive $0xFFFF  }
0xd: {  	s13 =	simm.s32 $0x2;
	s8 =	simm.s32 $0x0;
	[sflag:s6] =	ssyncpa.u1 $0x1  }
0xe: {  	s9 =	simm.s32 $0x88;
	s5 =	sshll.u32 s5, $0x4;
	[sflag:s12] =	ssyncpa.u1 $0x0  }
0xf: {  	s3 =	sadd.s32 s3, s5;
	(ifvalue) =	ssetifvalue $0x80;
	[sflag:s13] =	ssyncpa.u1 $0x0  }
0x10: {  	[tilespmem:s9], [sflag:$0x2] =	stream.linear.gather [hbm4b:s3+s8], $0x80, $0x38;
	[tilespmem:$0x208] =	vst v63  }
0x11: {  	s15 =	simm.s32 $0x188;
	s14 =	sadd.s32 s4, s5  }
0x12: {  	[tilespmem:s15], [sflag:$0x2] =	stream.linear.gather [hbm4b:s14+s8], $0x80, $0x38;
	[tilespmem:$0x208] =	vst v63  }
0x13: {  	_ =	swait.ge [sflag:s13], $0x100  }
0x14: {  	[sflag:s13] =	ssyncset.done $0x0  }
0x15: {  	[sflag:s13] =	ssyncadd.s32 $0xFFFFFF00  }
0x16: {  	v0 =	vld.msk [tilespmem:s9+$0x0 ss:$0x1], $0xffff;
	_ =	sdelay $0x4  }
0x17: {  	v0 =	vmin.u32 v0, $0x80;
	_ =	sdelay $0x3  }
0x18: {  	vm0 =	vmmov $0xffff;
	s16 =	simm.s32 $0x98  }
0x19: {  	[spmem:s8] =	stream.indirect_vreg.scatter.add.s32 [tilespmem:s15], [sflag:$0x1], $0x1, v0, vm0, $0x4038;
	[tilespmem:$0x208] =	vst v63  }
0x1a: {  	v0 =	vld.msk [tilespmem:s16+$0x0 ss:$0x1], $0xffff;
	_ =	sdelay $0x4  }
0x1b: {  	v0 =	vmin.u32 v0, $0x80;
	_ =	sdelay $0x3  }
0x1c: {  	s17 =	simm.s32 $0x198;
	s18 =	simm.s32 $0xA8  }
0x1d: {  	[spmem:s8] =	stream.indirect_vreg.scatter.add.s32 [tilespmem:s17], [sflag:$0x1], $0x1, v0, vm0, $0x4038;
	[tilespmem:$0x208] =	vst v63  }
0x1e: {  	v0 =	vld.msk [tilespmem:s18+$0x0 ss:$0x1], $0xffff;
	_ =	sdelay $0x4  }
0x1f: {  	v0 =	vmin.u32 v0, $0x80;
	_ =	sdelay $0x3  }
0x20: {  	s19 =	simm.s32 $0x1A8;
	s20 =	simm.s32 $0xB8  }
0x21: {  	[spmem:s8] =	stream.indirect_vreg.scatter.add.s32 [tilespmem:s19], [sflag:$0x1], $0x1, v0, vm0, $0x4038;
	[tilespmem:$0x208] =	vst v63  }
0x22: {  	v0 =	vld.msk [tilespmem:s20+$0x0 ss:$0x1], $0xffff;
	_ =	sdelay $0x4  }
0x23: {  	v0 =	vmin.u32 v0, $0x80;
	_ =	sdelay $0x3  }
0x24: {  	s21 =	simm.s32 $0x1B8;
	s22 =	simm.s32 $0xC8  }
0x25: {  	[spmem:s8] =	stream.indirect_vreg.scatter.add.s32 [tilespmem:s21], [sflag:$0x1], $0x1, v0, vm0, $0x4038;
	[tilespmem:$0x208] =	vst v63  }
0x26: {  	v0 =	vld.msk [tilespmem:s22+$0x0 ss:$0x1], $0xffff;
	_ =	sdelay $0x4  }
0x27: {  	v0 =	vmin.u32 v0, $0x80;
	_ =	sdelay $0x3  }
0x28: {  	s23 =	simm.s32 $0x1C8;
	s24 =	simm.s32 $0xD8  }
0x29: {  	[spmem:s8] =	stream.indirect_vreg.scatter.add.s32 [tilespmem:s23], [sflag:$0x1], $0x1, v0, vm0, $0x4038;
	[tilespmem:$0x208] =	vst v63  }
0x2a: {  	v0 =	vld.msk [tilespmem:s24+$0x0 ss:$0x1], $0xffff;
	_ =	sdelay $0x4  }
0x2b: {  	v0 =	vmin.u32 v0, $0x80;
	_ =	sdelay $0x3  }
0x2c: {  	s25 =	simm.s32 $0x1D8;
	s26 =	simm.s32 $0xE8  }
0x2d: {  	[spmem:s8] =	stream.indirect_vreg.scatter.add.s32 [tilespmem:s25], [sflag:$0x1], $0x1, v0, vm0, $0x4038;
	[tilespmem:$0x208] =	vst v63  }
0x2e: {  	v0 =	vld.msk [tilespmem:s26+$0x0 ss:$0x1], $0xffff;
	_ =	sdelay $0x4  }
0x2f: {  	v0 =	vmin.u32 v0, $0x80;
	_ =	sdelay $0x3  }
0x30: {  	s28 =	simm.s32 $0x1E8;
	s29 =	simm.s32 $0xF8  }
0x31: {  	[spmem:s8] =	stream.indirect_vreg.scatter.add.s32 [tilespmem:s28], [sflag:$0x1], $0x1, v0, vm0, $0x4038;
	[tilespmem:$0x208] =	vst v63  }
0x32: {  	v0 =	vld.msk [tilespmem:s29+$0x0 ss:$0x1], $0xffff;
	_ =	sdelay $0x4  }
0x33: {  	v0 =	vmin.u32 v0, $0x80;
	_ =	sdelay $0x3  }
0x34: {  	s30 =	simm.s32 $0x1F8  }
0x35: {  	[spmem:s8] =	stream.indirect_vreg.scatter.add.s32 [tilespmem:s30], [sflag:$0x1], $0x1, v0, vm0, $0x4038;
	[tilespmem:$0x208] =	vst v63  }
0x36: {  	_ =	swait.ge [sflag:s12], $0x80  }
0x37: {  	[sflag:s12] =	ssyncset.done $0x0  }
0x38: {  	[sflag:s12] =	ssyncadd.s32 $0xFFFFFF80  }
0x39: {  	_ =	sfence.sel $0x180000  }
0x3a: {  	[bflag:$0x0] =	sbarrier.arrive $0xFFFF  }
0x3b: {  	[sflag:s13] =	ssyncpa.u1 $0x1  }
0x3c: {  	[sflag:s12] =	ssyncpa.u1 $0x1  }
0x3d: {  	_ =	sfence.stream.spmem  }
0x3e: {  	s31 =	simm.s32 $0x3D;
	[bflag:$0x0] =	sbarrier.arrive $0xFFFF  }
0x3f: {  	s3 =	simm.s32 @p0 $0x3D;
	[sflag:s31] =	ssyncpa.u1 $0x0  }
0x40: {  	[sflag:s3] =	ssyncpa.u1 @p0 $0x1  }
0x41: {  	[bflag:$0x0] =	sbarrier.arrive @p0 $0xFFFF  }
0x42: {  	_ =	strace @p0 $0x90000047  }
0x43: {  	s3 =	simm.s32 @!p0 $0x1C3D;
	[bflag:$0x2] =	sbarrier.arrive @p0 $0xFFFF  }
0x44: {  	[hbm:s1], [sflag:s3] =	dma.local @!p0 [spmem:s2], $0x10  }
0x45: {  	s1 =	simm.s32 @!p0 $0x3D  }
0x46: {  	_ =	swait.ge @!p0 [sflag:s1], $0x10  }
0x47: {  	[sflag:s1] =	ssyncset.done @!p0 $0x0  }
0x48: {  	[sflag:s1] =	ssyncadd.s32 @!p0 $0xFFFFFFF0  }
0x49: {  	[sflag:s1] =	ssyncpa.u1 @!p0 $0x1  }
0x4a: {  	[bflag:$0x0] =	sbarrier.arrive @!p0 $0xFFFF  }
0x4b: {  	_ =	strace @!p0 $0x90000047  }
0x4c: {  	s0 =	sadd.s32 @!p0 $0x100000, s0;
	[bflag:$0x2] =	sbarrier.arrive @!p0 $0xFFFF  }
0x4d: {  	[sflag:s0] =	ssyncadd.tile.s32 @!p0 $0x1;
	_ =	shalt  }
.Lfunc_end2:
_tile_overlayer_lowered:
.L_overlay_start_2:
0x4e: {  	(tag) =	ssettag $0x2  }
0x4f: {  	s0 =	rddreg [dreg:$0x0];
	s2 =	stileid.u32  }
0x50: {  	s1 =	rddreg [dreg:$0x1];
	p0 =	sne.s32 s2, $0x0  }
0x51: {  	s3 =	rddreg [dreg:$0x2];
	[bflag:$0x3] =	sbarrier.arrive $0xFFFF;
	s2 =	simm.s32 @!p0 $0x1C01  }
0x52: {  	[timem:s3], [sflag:s2] =	dma.local @!p0 [hbm:s0], s1  }
0x53: {  	s0 =	simm.s32 @!p0 $0x1  }
0x54: {  	_ =	swait.ge @!p0 [sflag:s0], s1  }
0x55: {  	s1 =	ssub.s32 @!p0 $0x0, s1;
	[sflag:s0] =	ssyncset.done @!p0 $0x0  }
0x56: {  	[sflag:s0] =	ssyncadd.s32 @!p0 s1  }
0x57: {  	[bflag:$0x3] =	sbarrier.arrive $0xFFFF  }
0x58: {  	_ =	shalt  }

</sc_bundles>
